<compile_context>
chip_gen: v7x
topology: tpu7x:2x2x1
jax: 0.10.2.dev20260603
libtpu: 0.0.44.dev20260713+nightly
codegen_flags: <defaults>
</compile_context>

<pallas_src>
import functools

import jax
import jax.numpy as jnp
from jax import lax
from jax.experimental import pallas as pl
from jax.experimental.pallas import tpu as pltpu
from jax.experimental.pallas import tpu_sc as plsc

_CHUNK = 128
_NBUF = 4


@functools.cache
def _build(num_rows: int, vocab: int, dim: int):
  info = plsc.get_sparse_core_info()
  nc, ns = info.num_cores, info.num_subcores
  nw = nc * ns
  assert num_rows % (nw * _CHUNK) == 0
  chunks_per_w = num_rows // (nw * _CHUNK)
  assert chunks_per_w % _NBUF == 0
  n_outer = chunks_per_w // _NBUF
  rows_per_w = chunks_per_w * _CHUNK

  mesh = plsc.VectorSubcoreMesh(core_axis_name="c", subcore_axis_name="s")

  @functools.partial(
      pl.kernel,
      out_type=jax.ShapeDtypeStruct((num_rows, dim), jnp.float32),
      mesh=mesh,
      scratch_types=[
          pltpu.VMEM((chunks_per_w, _CHUNK), jnp.int32),
          [pltpu.VMEM((_CHUNK, dim), jnp.float32) for _ in range(_NBUF)],
          [pltpu.SemaphoreType.DMA for _ in range(_NBUF)],
      ],
  )
  def gather_kernel(table_hbm, idx_hbm, out_hbm, idx_v, bufs, gsems):
    wid = lax.axis_index("s") * nc + lax.axis_index("c")
    chunk0 = wid * chunks_per_w
    row0 = wid * rows_per_w

    pltpu.sync_copy(idx_hbm.at[pl.ds(chunk0, chunks_per_w)], idx_v)

    def start_gather(c, b):
      pltpu.async_copy(table_hbm.at[idx_v.at[c]], bufs[b], gsems[b])

    def wait_gather(c, b):
      pltpu.make_async_copy(table_hbm.at[idx_v.at[c]], bufs[b], gsems[b]).wait()

    def write_out(c, b):
      pltpu.sync_copy(bufs[b], out_hbm.at[pl.ds(row0 + c * _CHUNK, _CHUNK)])

    for b in range(_NBUF):
      start_gather(b, b)

    @pl.loop(0, n_outer - 1)
    def _(i):
      for b in range(_NBUF):
        c = i * _NBUF + b
        wait_gather(c, b)
        write_out(c, b)
        start_gather(c + _NBUF, b)

    for b in range(_NBUF):
      c = (n_outer - 1) * _NBUF + b
      wait_gather(c, b)
      write_out(c, b)

  return gather_kernel


def kernel(shape_id, emb_weight):
  batch, seq = shape_id.shape
  vocab, dim = emb_weight.shape
  num_rows = batch * seq
  idx = shape_id.astype(jnp.int32).reshape(num_rows // _CHUNK, _CHUNK)
  out = _build(num_rows, vocab, dim)(emb_weight, idx)
  return out.reshape(batch, seq, dim)

# --- scband reference (transcript-rebuilt; emitter-appended) ---
"""Pipeline reference for scband-shape-embedding-19619410608759 (READ-ONLY COPY).

The authoritative reference and input builder live on the scoring server;
editing this copy changes nothing except your own understanding.
"""

import jax, jax.numpy as jnp
import numpy as np

VOCAB_SIZE = 100000
DIM = 128
PAD_ID = 0

def setup_inputs(seed: int = 0) -> dict:
    key = jax.random.key(seed)
    k1, k2 = jax.random.split(key)
    shape_id = jax.random.randint(k1, (4096, 200), 0, VOCAB_SIZE, dtype=jnp.int64 if jax.config.jax_enable_x64 else jnp.int32)
    emb_weight = jax.random.normal(k2, (VOCAB_SIZE, DIM), dtype=jnp.float32)
    # nn.Embedding with padding_idx initializes the pad row to zeros
    emb_weight = emb_weight.at[PAD_ID].set(0.0)
    return {"shape_id": shape_id, "emb_weight": emb_weight}

def reference(shape_id, emb_weight):
    # Equivalent of self.emb(shape_id): a gather on the embedding table
    return jnp.take(emb_weight, shape_id, axis=0)

if __name__ == "__main__":
    import jax
    _d = setup_inputs()
    print(jax.jit(kernel)(*tuple(_d.values())))

</pallas_src>

<mosaic_0001>
#map = affine_map<(d0, d1) -> (0, 0)>
module attributes {stable_mosaic.version = 14 : i64} {
  func.func @gather_kernel(%arg0: i32, %arg1: i32, %arg2: memref<100000x128xf32, #tpu.memory_space<hbm>>, %arg3: memref<6400x128xi32, #tpu.memory_space<hbm>>, %arg4: memref<819200x128xf32, #tpu.memory_space<hbm>>, %arg5: memref<200x128xi32, #tpu.memory_space<vmem>>, %arg6: memref<128x128xf32, #tpu.memory_space<vmem>>, %arg7: memref<128x128xf32, #tpu.memory_space<vmem>>, %arg8: memref<128x128xf32, #tpu.memory_space<vmem>>, %arg9: memref<128x128xf32, #tpu.memory_space<vmem>>, %arg10: memref<!tpu.dma_semaphore, #tpu.memory_space<semaphore_mem>>, %arg11: memref<!tpu.dma_semaphore, #tpu.memory_space<semaphore_mem>>, %arg12: memref<!tpu.dma_semaphore, #tpu.memory_space<semaphore_mem>>, %arg13: memref<!tpu.dma_semaphore, #tpu.memory_space<semaphore_mem>>) attributes {dimension_semantics = [#tpu.dimension_semantics<core_parallel>, #tpu.dimension_semantics<subcore_parallel>], iteration_bounds = array<i64: 2, 16>, scalar_prefetch = 0 : i64, scratch_operands = 9 : i64, tpu.core_type = #tpu.core_type<sc_vector_subcore>, window_params = [{transform_indices = #map}, {transform_indices = #map}, {transform_indices = #map}]} {
    %mul3A = arith.constant 2 : i32
    %mul3A_0 = arith.muli %arg1, %mul3A : i32
    %add3A = arith.addi %mul3A_0, %arg0 : i32
    %mul3A_1 = arith.constant 200 : i32
    %mul3A_2 = arith.muli %add3A, %mul3A_1 : i32
    %mul3A_3 = arith.constant 25600 : i32
    %mul3A_4 = arith.muli %add3A, %mul3A_3 : i32
    "tpu.region"() ({
      %run_scoped3A = tpu.sem_alloc : memref<!tpu.dma_semaphore, #tpu.memory_space<semaphore_mem>>
      %dma_start3A_71 = arith.constant 0 : i32
      %dma_start3A_72 = tpu.memref_slice %arg3[%mul3A_2, %dma_start3A_71] : memref<6400x128xi32, #tpu.memory_space<hbm>> -> memref<200x128xi32, #tpu.memory_space<hbm>>
      %dma_start3A_73 = arith.constant 0 : i32
      %dma_start3A_74 = tpu.memref_slice %arg3[%mul3A_2, %dma_start3A_73] : memref<6400x128xi32, #tpu.memory_space<hbm>> -> memref<200x128xi32, #tpu.memory_space<hbm>>
      tpu.enqueue_dma source(%dma_start3A_74 : memref<200x128xi32, #tpu.memory_space<hbm>>) target(%arg5 : memref<200x128xi32, #tpu.memory_space<vmem>>) target_semaphore(%run_scoped3A : memref<!tpu.dma_semaphore, #tpu.memory_space<semaphore_mem>>)
      %dma_wait3A_75 = arith.constant 0 : i32
      %dma_wait3A_76 = tpu.memref_slice %arg3[%mul3A_2, %dma_wait3A_75] : memref<6400x128xi32, #tpu.memory_space<hbm>> -> memref<200x128xi32, #tpu.memory_space<hbm>>
      %dma_wait3A_77 = arith.constant 0 : i32
      %dma_wait3A_78 = tpu.memref_slice %arg3[%mul3A_2, %dma_wait3A_77] : memref<6400x128xi32, #tpu.memory_space<hbm>> -> memref<200x128xi32, #tpu.memory_space<hbm>>
      tpu.wait_dma2 semaphore(%run_scoped3A : memref<!tpu.dma_semaphore, #tpu.memory_space<semaphore_mem>>) src(%dma_wait3A_78 : memref<200x128xi32, #tpu.memory_space<hbm>>) dst(%arg5 : memref<200x128xi32, #tpu.memory_space<vmem>>)
      tpu.yield
    }) : () -> ()
    %dma_start3A = arith.constant 0 : i32
    %dma_start3A_5 = arith.constant 0 : i32
    %dma_start3A_6 = tpu.memref_slice %arg5[%dma_start3A, %dma_start3A_5] : memref<200x128xi32, #tpu.memory_space<vmem>> -> memref<1x128xi32, #tpu.memory_space<vmem>>
    %dma_start3A_7 = tpu.memref_squeeze %dma_start3A_6 : memref<1x128xi32, #tpu.memory_space<vmem>> -> memref<128xi32, #tpu.memory_space<vmem>>
    %dma_start3A_8 = arith.constant 0 : i32
    %dma_start3A_9 = arith.constant 0 : i32
    %dma_start3A_10 = tpu.memref_slice %arg2[%dma_start3A_8, %dma_start3A_9] : memref<100000x128xf32, #tpu.memory_space<hbm>> -> memref<100000x128xf32, #tpu.memory_space<hbm>>
    tpu.enqueue_indirect_dma source(%dma_start3A_10 : memref<100000x128xf32, #tpu.memory_space<hbm>>) target(%arg6 : memref<128x128xf32, #tpu.memory_space<vmem>>) offsets(%dma_start3A_7 : memref<128xi32, #tpu.memory_space<vmem>>) semaphore(%arg10 : memref<!tpu.dma_semaphore, #tpu.memory_space<semaphore_mem>>)
    %dma_start3A_11 = arith.constant 1 : i32
    %dma_start3A_12 = arith.constant 0 : i32
    %dma_start3A_13 = tpu.memref_slice %arg5[%dma_start3A_11, %dma_start3A_12] : memref<200x128xi32, #tpu.memory_space<vmem>> -> memref<1x128xi32, #tpu.memory_space<vmem>>
    %dma_start3A_14 = tpu.memref_squeeze %dma_start3A_13 : memref<1x128xi32, #tpu.memory_space<vmem>> -> memref<128xi32, #tpu.memory_space<vmem>>
    %dma_start3A_15 = arith.constant 0 : i32
    %dma_start3A_16 = arith.constant 0 : i32
    %dma_start3A_17 = tpu.memref_slice %arg2[%dma_start3A_15, %dma_start3A_16] : memref<100000x128xf32, #tpu.memory_space<hbm>> -> memref<100000x128xf32, #tpu.memory_space<hbm>>
    tpu.enqueue_indirect_dma source(%dma_start3A_17 : memref<100000x128xf32, #tpu.memory_space<hbm>>) target(%arg7 : memref<128x128xf32, #tpu.memory_space<vmem>>) offsets(%dma_start3A_14 : memref<128xi32, #tpu.memory_space<vmem>>) semaphore(%arg11 : memref<!tpu.dma_semaphore, #tpu.memory_space<semaphore_mem>>)
    %dma_start3A_18 = arith.constant 2 : i32
    %dma_start3A_19 = arith.constant 0 : i32
    %dma_start3A_20 = tpu.memref_slice %arg5[%dma_start3A_18, %dma_start3A_19] : memref<200x128xi32, #tpu.memory_space<vmem>> -> memref<1x128xi32, #tpu.memory_space<vmem>>
    %dma_start3A_21 = tpu.memref_squeeze %dma_start3A_20 : memref<1x128xi32, #tpu.memory_space<vmem>> -> memref<128xi32, #tpu.memory_space<vmem>>
    %dma_start3A_22 = arith.constant 0 : i32
    %dma_start3A_23 = arith.constant 0 : i32
    %dma_start3A_24 = tpu.memref_slice %arg2[%dma_start3A_22, %dma_start3A_23] : memref<100000x128xf32, #tpu.memory_space<hbm>> -> memref<100000x128xf32, #tpu.memory_space<hbm>>
    tpu.enqueue_indirect_dma source(%dma_start3A_24 : memref<100000x128xf32, #tpu.memory_space<hbm>>) target(%arg8 : memref<128x128xf32, #tpu.memory_space<vmem>>) offsets(%dma_start3A_21 : memref<128xi32, #tpu.memory_space<vmem>>) semaphore(%arg12 : memref<!tpu.dma_semaphore, #tpu.memory_space<semaphore_mem>>)
    %dma_start3A_25 = arith.constant 3 : i32
    %dma_start3A_26 = arith.constant 0 : i32
    %dma_start3A_27 = tpu.memref_slice %arg5[%dma_start3A_25, %dma_start3A_26] : memref<200x128xi32, #tpu.memory_space<vmem>> -> memref<1x128xi32, #tpu.memory_space<vmem>>
    %dma_start3A_28 = tpu.memref_squeeze %dma_start3A_27 : memref<1x128xi32, #tpu.memory_space<vmem>> -> memref<128xi32, #tpu.memory_space<vmem>>
    %dma_start3A_29 = arith.constant 0 : i32
    %dma_start3A_30 = arith.constant 0 : i32
    %dma_start3A_31 = tpu.memref_slice %arg2[%dma_start3A_29, %dma_start3A_30] : memref<100000x128xf32, #tpu.memory_space<hbm>> -> memref<100000x128xf32, #tpu.memory_space<hbm>>
    tpu.enqueue_indirect_dma source(%dma_start3A_31 : memref<100000x128xf32, #tpu.memory_space<hbm>>) target(%arg9 : memref<128x128xf32, #tpu.memory_space<vmem>>) offsets(%dma_start3A_28 : memref<128xi32, #tpu.memory_space<vmem>>) semaphore(%arg13 : memref<!tpu.dma_semaphore, #tpu.memory_space<semaphore_mem>>)
    %scan3A = arith.constant 0 : i32
    %scan3A_32 = arith.constant 49 : i32
    %scan3A_33 = arith.addi %scan3A, %scan3A_32 : i32
    %scan3A_34 = arith.constant 1 : i32
    scf.for %scan3A_71 = %scan3A to %scan3A_33 step %scan3A_34  : i32 {
      %mul3A_72 = arith.constant 1 : i32
      %mul3A_73 = arith.muli %scan3A_71, %mul3A_72 : i32
      %add3A_74 = arith.constant 0 : i32
      %add3A_75 = arith.addi %add3A_74, %mul3A_73 : i32
      %mul3A_76 = arith.constant 4 : i32
      %mul3A_77 = arith.muli %add3A_75, %mul3A_76 : i32
      %add3A_78 = arith.constant 0 : i32
      %add3A_79 = arith.addi %mul3A_77, %add3A_78 : i32
      %dma_wait3A_80 = arith.constant 0 : i32
      %dma_wait3A_81 = tpu.memref_slice %arg5[%add3A_79, %dma_wait3A_80] : memref<200x128xi32, #tpu.memory_space<vmem>> -> memref<1x128xi32, #tpu.memory_space<vmem>>
      %dma_wait3A_82 = tpu.memref_squeeze %dma_wait3A_81 : memref<1x128xi32, #tpu.memory_space<vmem>> -> memref<128xi32, #tpu.memory_space<vmem>>
      %dma_wait3A_83 = arith.constant 0 : i32
      %dma_wait3A_84 = arith.constant 0 : i32
      %dma_wait3A_85 = tpu.memref_slice %arg2[%dma_wait3A_83, %dma_wait3A_84] : memref<100000x128xf32, #tpu.memory_space<hbm>> -> memref<100000x128xf32, #tpu.memory_space<hbm>>
      tpu.wait_indirect_dma semaphore(%arg10 : memref<!tpu.dma_semaphore, #tpu.memory_space<semaphore_mem>>) src(%dma_wait3A_85 : memref<100000x128xf32, #tpu.memory_space<hbm>>) dst(%arg6 : memref<128x128xf32, #tpu.memory_space<vmem>>)
      %mul3A_86 = arith.constant 128 : i32
      %mul3A_87 = arith.muli %add3A_79, %mul3A_86 : i32
      %add3A_88 = arith.addi %mul3A_4, %mul3A_87 : i32
      "tpu.region"() ({
        %run_scoped3A = tpu.sem_alloc : memref<!tpu.dma_semaphore, #tpu.memory_space<semaphore_mem>>
        %dma_start3A_160 = arith.constant 0 : i32
        %dma_start3A_161 = tpu.memref_slice %arg4[%add3A_88, %dma_start3A_160] : memref<819200x128xf32, #tpu.memory_space<hbm>> -> memref<128x128xf32, #tpu.memory_space<hbm>>
        %dma_start3A_162 = arith.constant 0 : i32
        %dma_start3A_163 = tpu.memref_slice %arg4[%add3A_88, %dma_start3A_162] : memref<819200x128xf32, #tpu.memory_space<hbm>> -> memref<128x128xf32, #tpu.memory_space<hbm>>
        tpu.enqueue_dma source(%arg6 : memref<128x128xf32, #tpu.memory_space<vmem>>) target(%dma_start3A_163 : memref<128x128xf32, #tpu.memory_space<hbm>>) target_semaphore(%run_scoped3A : memref<!tpu.dma_semaphore, #tpu.memory_space<semaphore_mem>>)
        %dma_wait3A_164 = arith.constant 0 : i32
        %dma_wait3A_165 = tpu.memref_slice %arg4[%add3A_88, %dma_wait3A_164] : memref<819200x128xf32, #tpu.memory_space<hbm>> -> memref<128x128xf32, #tpu.memory_space<hbm>>
        %dma_wait3A_166 = arith.constant 0 : i32
        %dma_wait3A_167 = tpu.memref_slice %arg4[%add3A_88, %dma_wait3A_166] : memref<819200x128xf32, #tpu.memory_space<hbm>> -> memref<128x128xf32, #tpu.memory_space<hbm>>
        tpu.wait_dma2 semaphore(%run_scoped3A : memref<!tpu.dma_semaphore, #tpu.memory_space<semaphore_mem>>) src(%arg6 : memref<128x128xf32, #tpu.memory_space<vmem>>) dst(%dma_wait3A_167 : memref<128x128xf32, #tpu.memory_space<hbm>>)
        tpu.yield
      }) : () -> ()
      %add3A_89 = arith.constant 4 : i32
      %add3A_90 = arith.addi %add3A_79, %add3A_89 : i32
      %dma_start3A_91 = arith.constant 0 : i32
      %dma_start3A_92 = tpu.memref_slice %arg5[%add3A_90, %dma_start3A_91] : memref<200x128xi32, #tpu.memory_space<vmem>> -> memref<1x128xi32, #tpu.memory_space<vmem>>
      %dma_start3A_93 = tpu.memref_squeeze %dma_start3A_92 : memref<1x128xi32, #tpu.memory_space<vmem>> -> memref<128xi32, #tpu.memory_space<vmem>>
      %dma_start3A_94 = arith.constant 0 : i32
      %dma_start3A_95 = arith.constant 0 : i32
      %dma_start3A_96 = tpu.memref_slice %arg2[%dma_start3A_94, %dma_start3A_95] : memref<100000x128xf32, #tpu.memory_space<hbm>> -> memref<100000x128xf32, #tpu.memory_space<hbm>>
      tpu.enqueue_indirect_dma source(%dma_start3A_96 : memref<100000x128xf32, #tpu.memory_space<hbm>>) target(%arg6 : memref<128x128xf32, #tpu.memory_space<vmem>>) offsets(%dma_start3A_93 : memref<128xi32, #tpu.memory_space<vmem>>) semaphore(%arg10 : memref<!tpu.dma_semaphore, #tpu.memory_space<semaphore_mem>>)
      %mul3A_97 = arith.constant 4 : i32
      %mul3A_98 = arith.muli %add3A_75, %mul3A_97 : i32
      %add3A_99 = arith.constant 1 : i32
      %add3A_100 = arith.addi %mul3A_98, %add3A_99 : i32
      %dma_wait3A_101 = arith.constant 0 : i32
      %dma_wait3A_102 = tpu.memref_slice %arg5[%add3A_100, %dma_wait3A_101] : memref<200x128xi32, #tpu.memory_space<vmem>> -> memref<1x128xi32, #tpu.memory_space<vmem>>
      %dma_wait3A_103 = tpu.memref_squeeze %dma_wait3A_102 : memref<1x128xi32, #tpu.memory_space<vmem>> -> memref<128xi32, #tpu.memory_space<vmem>>
      %dma_wait3A_104 = arith.constant 0 : i32
      %dma_wait3A_105 = arith.constant 0 : i32
      %dma_wait3A_106 = tpu.memref_slice %arg2[%dma_wait3A_104, %dma_wait3A_105] : memref<100000x128xf32, #tpu.memory_space<hbm>> -> memref<100000x128xf32, #tpu.memory_space<hbm>>
      tpu.wait_indirect_dma semaphore(%arg11 : memref<!tpu.dma_semaphore, #tpu.memory_space<semaphore_mem>>) src(%dma_wait3A_106 : memref<100000x128xf32, #tpu.memory_space<hbm>>) dst(%arg7 : memref<128x128xf32, #tpu.memory_space<vmem>>)
      %mul3A_107 = arith.constant 128 : i32
      %mul3A_108 = arith.muli %add3A_100, %mul3A_107 : i32
      %add3A_109 = arith.addi %mul3A_4, %mul3A_108 : i32
      "tpu.region"() ({
        %run_scoped3A = tpu.sem_alloc : memref<!tpu.dma_semaphore, #tpu.memory_space<semaphore_mem>>
        %dma_start3A_160 = arith.constant 0 : i32
        %dma_start3A_161 = tpu.memref_slice %arg4[%add3A_109, %dma_start3A_160] : memref<819200x128xf32, #tpu.memory_space<hbm>> -> memref<128x128xf32, #tpu.memory_space<hbm>>
        %dma_start3A_162 = arith.constant 0 : i32
        %dma_start3A_163 = tpu.memref_slice %arg4[%add3A_109, %dma_start3A_162] : memref<819200x128xf32, #tpu.memory_space<hbm>> -> memref<128x128xf32, #tpu.memory_space<hbm>>
        tpu.enqueue_dma source(%arg7 : memref<128x128xf32, #tpu.memory_space<vmem>>) target(%dma_start3A_163 : memref<128x128xf32, #tpu.memory_space<hbm>>) target_semaphore(%run_scoped3A : memref<!tpu.dma_semaphore, #tpu.memory_space<semaphore_mem>>)
        %dma_wait3A_164 = arith.constant 0 : i32
        %dma_wait3A_165 = tpu.memref_slice %arg4[%add3A_109, %dma_wait3A_164] : memref<819200x128xf32, #tpu.memory_space<hbm>> -> memref<128x128xf32, #tpu.memory_space<hbm>>
        %dma_wait3A_166 = arith.constant 0 : i32
        %dma_wait3A_167 = tpu.memref_slice %arg4[%add3A_109, %dma_wait3A_166] : memref<819200x128xf32, #tpu.memory_space<hbm>> -> memref<128x128xf32, #tpu.memory_space<hbm>>
        tpu.wait_dma2 semaphore(%run_scoped3A : memref<!tpu.dma_semaphore, #tpu.memory_space<semaphore_mem>>) src(%arg7 : memref<128x128xf32, #tpu.memory_space<vmem>>) dst(%dma_wait3A_167 : memref<128x128xf32, #tpu.memory_space<hbm>>)
        tpu.yield
      }) : () -> ()
      %add3A_110 = arith.constant 4 : i32
      %add3A_111 = arith.addi %add3A_100, %add3A_110 : i32
      %dma_start3A_112 = arith.constant 0 : i32
      %dma_start3A_113 = tpu.memref_slice %arg5[%add3A_111, %dma_start3A_112] : memref<200x128xi32, #tpu.memory_space<vmem>> -> memref<1x128xi32, #tpu.memory_space<vmem>>
      %dma_start3A_114 = tpu.memref_squeeze %dma_start3A_113 : memref<1x128xi32, #tpu.memory_space<vmem>> -> memref<128xi32, #tpu.memory_space<vmem>>
      %dma_start3A_115 = arith.constant 0 : i32
      %dma_start3A_116 = arith.constant 0 : i32
      %dma_start3A_117 = tpu.memref_slice %arg2[%dma_start3A_115, %dma_start3A_116] : memref<100000x128xf32, #tpu.memory_space<hbm>> -> memref<100000x128xf32, #tpu.memory_space<hbm>>
      tpu.enqueue_indirect_dma source(%dma_start3A_117 : memref<100000x128xf32, #tpu.memory_space<hbm>>) target(%arg7 : memref<128x128xf32, #tpu.memory_space<vmem>>) offsets(%dma_start3A_114 : memref<128xi32, #tpu.memory_space<vmem>>) semaphore(%arg11 : memref<!tpu.dma_semaphore, #tpu.memory_space<semaphore_mem>>)
      %mul3A_118 = arith.constant 4 : i32
      %mul3A_119 = arith.muli %add3A_75, %mul3A_118 : i32
      %add3A_120 = arith.constant 2 : i32
      %add3A_121 = arith.addi %mul3A_119, %add3A_120 : i32
      %dma_wait3A_122 = arith.constant 0 : i32
      %dma_wait3A_123 = tpu.memref_slice %arg5[%add3A_121, %dma_wait3A_122] : memref<200x128xi32, #tpu.memory_space<vmem>> -> memref<1x128xi32, #tpu.memory_space<vmem>>
      %dma_wait3A_124 = tpu.memref_squeeze %dma_wait3A_123 : memref<1x128xi32, #tpu.memory_space<vmem>> -> memref<128xi32, #tpu.memory_space<vmem>>
      %dma_wait3A_125 = arith.constant 0 : i32
      %dma_wait3A_126 = arith.constant 0 : i32
      %dma_wait3A_127 = tpu.memref_slice %arg2[%dma_wait3A_125, %dma_wait3A_126] : memref<100000x128xf32, #tpu.memory_space<hbm>> -> memref<100000x128xf32, #tpu.memory_space<hbm>>
      tpu.wait_indirect_dma semaphore(%arg12 : memref<!tpu.dma_semaphore, #tpu.memory_space<semaphore_mem>>) src(%dma_wait3A_127 : memref<100000x128xf32, #tpu.memory_space<hbm>>) dst(%arg8 : memref<128x128xf32, #tpu.memory_space<vmem>>)
      %mul3A_128 = arith.constant 128 : i32
      %mul3A_129 = arith.muli %add3A_121, %mul3A_128 : i32
      %add3A_130 = arith.addi %mul3A_4, %mul3A_129 : i32
      "tpu.region"() ({
        %run_scoped3A = tpu.sem_alloc : memref<!tpu.dma_semaphore, #tpu.memory_space<semaphore_mem>>
        %dma_start3A_160 = arith.constant 0 : i32
        %dma_start3A_161 = tpu.memref_slice %arg4[%add3A_130, %dma_start3A_160] : memref<819200x128xf32, #tpu.memory_space<hbm>> -> memref<128x128xf32, #tpu.memory_space<hbm>>
        %dma_start3A_162 = arith.constant 0 : i32
        %dma_start3A_163 = tpu.memref_slice %arg4[%add3A_130, %dma_start3A_162] : memref<819200x128xf32, #tpu.memory_space<hbm>> -> memref<128x128xf32, #tpu.memory_space<hbm>>
        tpu.enqueue_dma source(%arg8 : memref<128x128xf32, #tpu.memory_space<vmem>>) target(%dma_start3A_163 : memref<128x128xf32, #tpu.memory_space<hbm>>) target_semaphore(%run_scoped3A : memref<!tpu.dma_semaphore, #tpu.memory_space<semaphore_mem>>)
        %dma_wait3A_164 = arith.constant 0 : i32
        %dma_wait3A_165 = tpu.memref_slice %arg4[%add3A_130, %dma_wait3A_164] : memref<819200x128xf32, #tpu.memory_space<hbm>> -> memref<128x128xf32, #tpu.memory_space<hbm>>
        %dma_wait3A_166 = arith.constant 0 : i32
        %dma_wait3A_167 = tpu.memref_slice %arg4[%add3A_130, %dma_wait3A_166] : memref<819200x128xf32, #tpu.memory_space<hbm>> -> memref<128x128xf32, #tpu.memory_space<hbm>>
        tpu.wait_dma2 semaphore(%run_scoped3A : memref<!tpu.dma_semaphore, #tpu.memory_space<semaphore_mem>>) src(%arg8 : memref<128x128xf32, #tpu.memory_space<vmem>>) dst(%dma_wait3A_167 : memref<128x128xf32, #tpu.memory_space<hbm>>)
        tpu.yield
      }) : () -> ()
      %add3A_131 = arith.constant 4 : i32
      %add3A_132 = arith.addi %add3A_121, %add3A_131 : i32
      %dma_start3A_133 = arith.constant 0 : i32
      %dma_start3A_134 = tpu.memref_slice %arg5[%add3A_132, %dma_start3A_133] : memref<200x128xi32, #tpu.memory_space<vmem>> -> memref<1x128xi32, #tpu.memory_space<vmem>>
      %dma_start3A_135 = tpu.memref_squeeze %dma_start3A_134 : memref<1x128xi32, #tpu.memory_space<vmem>> -> memref<128xi32, #tpu.memory_space<vmem>>
      %dma_start3A_136 = arith.constant 0 : i32
      %dma_start3A_137 = arith.constant 0 : i32
      %dma_start3A_138 = tpu.memref_slice %arg2[%dma_start3A_136, %dma_start3A_137] : memref<100000x128xf32, #tpu.memory_space<hbm>> -> memref<100000x128xf32, #tpu.memory_space<hbm>>
      tpu.enqueue_indirect_dma source(%dma_start3A_138 : memref<100000x128xf32, #tpu.memory_space<hbm>>) target(%arg8 : memref<128x128xf32, #tpu.memory_space<vmem>>) offsets(%dma_start3A_135 : memref<128xi32, #tpu.memory_space<vmem>>) semaphore(%arg12 : memref<!tpu.dma_semaphore, #tpu.memory_space<semaphore_mem>>)
      %mul3A_139 = arith.constant 4 : i32
      %mul3A_140 = arith.muli %add3A_75, %mul3A_139 : i32
      %add3A_141 = arith.constant 3 : i32
      %add3A_142 = arith.addi %mul3A_140, %add3A_141 : i32
      %dma_wait3A_143 = arith.constant 0 : i32
      %dma_wait3A_144 = tpu.memref_slice %arg5[%add3A_142, %dma_wait3A_143] : memref<200x128xi32, #tpu.memory_space<vmem>> -> memref<1x128xi32, #tpu.memory_space<vmem>>
      %dma_wait3A_145 = tpu.memref_squeeze %dma_wait3A_144 : memref<1x128xi32, #tpu.memory_space<vmem>> -> memref<128xi32, #tpu.memory_space<vmem>>
      %dma_wait3A_146 = arith.constant 0 : i32
      %dma_wait3A_147 = arith.constant 0 : i32
      %dma_wait3A_148 = tpu.memref_slice %arg2[%dma_wait3A_146, %dma_wait3A_147] : memref<100000x128xf32, #tpu.memory_space<hbm>> -> memref<100000x128xf32, #tpu.memory_space<hbm>>
      tpu.wait_indirect_dma semaphore(%arg13 : memref<!tpu.dma_semaphore, #tpu.memory_space<semaphore_mem>>) src(%dma_wait3A_148 : memref<100000x128xf32, #tpu.memory_space<hbm>>) dst(%arg9 : memref<128x128xf32, #tpu.memory_space<vmem>>)
      %mul3A_149 = arith.constant 128 : i32
      %mul3A_150 = arith.muli %add3A_142, %mul3A_149 : i32
      %add3A_151 = arith.addi %mul3A_4, %mul3A_150 : i32
      "tpu.region"() ({
        %run_scoped3A = tpu.sem_alloc : memref<!tpu.dma_semaphore, #tpu.memory_space<semaphore_mem>>
        %dma_start3A_160 = arith.constant 0 : i32
        %dma_start3A_161 = tpu.memref_slice %arg4[%add3A_151, %dma_start3A_160] : memref<819200x128xf32, #tpu.memory_space<hbm>> -> memref<128x128xf32, #tpu.memory_space<hbm>>
        %dma_start3A_162 = arith.constant 0 : i32
        %dma_start3A_163 = tpu.memref_slice %arg4[%add3A_151, %dma_start3A_162] : memref<819200x128xf32, #tpu.memory_space<hbm>> -> memref<128x128xf32, #tpu.memory_space<hbm>>
        tpu.enqueue_dma source(%arg9 : memref<128x128xf32, #tpu.memory_space<vmem>>) target(%dma_start3A_163 : memref<128x128xf32, #tpu.memory_space<hbm>>) target_semaphore(%run_scoped3A : memref<!tpu.dma_semaphore, #tpu.memory_space<semaphore_mem>>)
        %dma_wait3A_164 = arith.constant 0 : i32
        %dma_wait3A_165 = tpu.memref_slice %arg4[%add3A_151, %dma_wait3A_164] : memref<819200x128xf32, #tpu.memory_space<hbm>> -> memref<128x128xf32, #tpu.memory_space<hbm>>
        %dma_wait3A_166 = arith.constant 0 : i32
        %dma_wait3A_167 = tpu.memref_slice %arg4[%add3A_151, %dma_wait3A_166] : memref<819200x128xf32, #tpu.memory_space<hbm>> -> memref<128x128xf32, #tpu.memory_space<hbm>>
        tpu.wait_dma2 semaphore(%run_scoped3A : memref<!tpu.dma_semaphore, #tpu.memory_space<semaphore_mem>>) src(%arg9 : memref<128x128xf32, #tpu.memory_space<vmem>>) dst(%dma_wait3A_167 : memref<128x128xf32, #tpu.memory_space<hbm>>)
        tpu.yield
      }) : () -> ()
      %add3A_152 = arith.constant 4 : i32
      %add3A_153 = arith.addi %add3A_142, %add3A_152 : i32
      %dma_start3A_154 = arith.constant 0 : i32
      %dma_start3A_155 = tpu.memref_slice %arg5[%add3A_153, %dma_start3A_154] : memref<200x128xi32, #tpu.memory_space<vmem>> -> memref<1x128xi32, #tpu.memory_space<vmem>>
      %dma_start3A_156 = tpu.memref_squeeze %dma_start3A_155 : memref<1x128xi32, #tpu.memory_space<vmem>> -> memref<128xi32, #tpu.memory_space<vmem>>
      %dma_start3A_157 = arith.constant 0 : i32
      %dma_start3A_158 = arith.constant 0 : i32
      %dma_start3A_159 = tpu.memref_slice %arg2[%dma_start3A_157, %dma_start3A_158] : memref<100000x128xf32, #tpu.memory_space<hbm>> -> memref<100000x128xf32, #tpu.memory_space<hbm>>
      tpu.enqueue_indirect_dma source(%dma_start3A_159 : memref<100000x128xf32, #tpu.memory_space<hbm>>) target(%arg9 : memref<128x128xf32, #tpu.memory_space<vmem>>) offsets(%dma_start3A_156 : memref<128xi32, #tpu.memory_space<vmem>>) semaphore(%arg13 : memref<!tpu.dma_semaphore, #tpu.memory_space<semaphore_mem>>)
    }
    %scan3A_35 = arith.constant 49 : i32
    %dma_wait3A = arith.constant 196 : i32
    %dma_wait3A_36 = arith.constant 0 : i32
    %dma_wait3A_37 = tpu.memref_slice %arg5[%dma_wait3A, %dma_wait3A_36] : memref<200x128xi32, #tpu.memory_space<vmem>> -> memref<1x128xi32, #tpu.memory_space<vmem>>
    %dma_wait3A_38 = tpu.memref_squeeze %dma_wait3A_37 : memref<1x128xi32, #tpu.memory_space<vmem>> -> memref<128xi32, #tpu.memory_space<vmem>>
    %dma_wait3A_39 = arith.constant 0 : i32
    %dma_wait3A_40 = arith.constant 0 : i32
    %dma_wait3A_41 = tpu.memref_slice %arg2[%dma_wait3A_39, %dma_wait3A_40] : memref<100000x128xf32, #tpu.memory_space<hbm>> -> memref<100000x128xf32, #tpu.memory_space<hbm>>
    tpu.wait_indirect_dma semaphore(%arg10 : memref<!tpu.dma_semaphore, #tpu.memory_space<semaphore_mem>>) src(%dma_wait3A_41 : memref<100000x128xf32, #tpu.memory_space<hbm>>) dst(%arg6 : memref<128x128xf32, #tpu.memory_space<vmem>>)
    %add3A_42 = arith.constant 25088 : i32
    %add3A_43 = arith.addi %mul3A_4, %add3A_42 : i32
    "tpu.region"() ({
      %run_scoped3A = tpu.sem_alloc : memref<!tpu.dma_semaphore, #tpu.memory_space<semaphore_mem>>
      %dma_start3A_71 = arith.constant 0 : i32
      %dma_start3A_72 = tpu.memref_slice %arg4[%add3A_43, %dma_start3A_71] : memref<819200x128xf32, #tpu.memory_space<hbm>> -> memref<128x128xf32, #tpu.memory_space<hbm>>
      %dma_start3A_73 = arith.constant 0 : i32
      %dma_start3A_74 = tpu.memref_slice %arg4[%add3A_43, %dma_start3A_73] : memref<819200x128xf32, #tpu.memory_space<hbm>> -> memref<128x128xf32, #tpu.memory_space<hbm>>
      tpu.enqueue_dma source(%arg6 : memref<128x128xf32, #tpu.memory_space<vmem>>) target(%dma_start3A_74 : memref<128x128xf32, #tpu.memory_space<hbm>>) target_semaphore(%run_scoped3A : memref<!tpu.dma_semaphore, #tpu.memory_space<semaphore_mem>>)
      %dma_wait3A_75 = arith.constant 0 : i32
      %dma_wait3A_76 = tpu.memref_slice %arg4[%add3A_43, %dma_wait3A_75] : memref<819200x128xf32, #tpu.memory_space<hbm>> -> memref<128x128xf32, #tpu.memory_space<hbm>>
      %dma_wait3A_77 = arith.constant 0 : i32
      %dma_wait3A_78 = tpu.memref_slice %arg4[%add3A_43, %dma_wait3A_77] : memref<819200x128xf32, #tpu.memory_space<hbm>> -> memref<128x128xf32, #tpu.memory_space<hbm>>
      tpu.wait_dma2 semaphore(%run_scoped3A : memref<!tpu.dma_semaphore, #tpu.memory_space<semaphore_mem>>) src(%arg6 : memref<128x128xf32, #tpu.memory_space<vmem>>) dst(%dma_wait3A_78 : memref<128x128xf32, #tpu.memory_space<hbm>>)
      tpu.yield
    }) : () -> ()
    %dma_wait3A_44 = arith.constant 197 : i32
    %dma_wait3A_45 = arith.constant 0 : i32
    %dma_wait3A_46 = tpu.memref_slice %arg5[%dma_wait3A_44, %dma_wait3A_45] : memref<200x128xi32, #tpu.memory_space<vmem>> -> memref<1x128xi32, #tpu.memory_space<vmem>>
    %dma_wait3A_47 = tpu.memref_squeeze %dma_wait3A_46 : memref<1x128xi32, #tpu.memory_space<vmem>> -> memref<128xi32, #tpu.memory_space<vmem>>
    %dma_wait3A_48 = arith.constant 0 : i32
    %dma_wait3A_49 = arith.constant 0 : i32
    %dma_wait3A_50 = tpu.memref_slice %arg2[%dma_wait3A_48, %dma_wait3A_49] : memref<100000x128xf32, #tpu.memory_space<hbm>> -> memref<100000x128xf32, #tpu.memory_space<hbm>>
    tpu.wait_indirect_dma semaphore(%arg11 : memref<!tpu.dma_semaphore, #tpu.memory_space<semaphore_mem>>) src(%dma_wait3A_50 : memref<100000x128xf32, #tpu.memory_space<hbm>>) dst(%arg7 : memref<128x128xf32, #tpu.memory_space<vmem>>)
    %add3A_51 = arith.constant 25216 : i32
    %add3A_52 = arith.addi %mul3A_4, %add3A_51 : i32
    "tpu.region"() ({
      %run_scoped3A = tpu.sem_alloc : memref<!tpu.dma_semaphore, #tpu.memory_space<semaphore_mem>>
      %dma_start3A_71 = arith.constant 0 : i32
      %dma_start3A_72 = tpu.memref_slice %arg4[%add3A_52, %dma_start3A_71] : memref<819200x128xf32, #tpu.memory_space<hbm>> -> memref<128x128xf32, #tpu.memory_space<hbm>>
      %dma_start3A_73 = arith.constant 0 : i32
      %dma_start3A_74 = tpu.memref_slice %arg4[%add3A_52, %dma_start3A_73] : memref<819200x128xf32, #tpu.memory_space<hbm>> -> memref<128x128xf32, #tpu.memory_space<hbm>>
      tpu.enqueue_dma source(%arg7 : memref<128x128xf32, #tpu.memory_space<vmem>>) target(%dma_start3A_74 : memref<128x128xf32, #tpu.memory_space<hbm>>) target_semaphore(%run_scoped3A : memref<!tpu.dma_semaphore, #tpu.memory_space<semaphore_mem>>)
      %dma_wait3A_75 = arith.constant 0 : i32
      %dma_wait3A_76 = tpu.memref_slice %arg4[%add3A_52, %dma_wait3A_75] : memref<819200x128xf32, #tpu.memory_space<hbm>> -> memref<128x128xf32, #tpu.memory_space<hbm>>
      %dma_wait3A_77 = arith.constant 0 : i32
      %dma_wait3A_78 = tpu.memref_slice %arg4[%add3A_52, %dma_wait3A_77] : memref<819200x128xf32, #tpu.memory_space<hbm>> -> memref<128x128xf32, #tpu.memory_space<hbm>>
      tpu.wait_dma2 semaphore(%run_scoped3A : memref<!tpu.dma_semaphore, #tpu.memory_space<semaphore_mem>>) src(%arg7 : memref<128x128xf32, #tpu.memory_space<vmem>>) dst(%dma_wait3A_78 : memref<128x128xf32, #tpu.memory_space<hbm>>)
      tpu.yield
    }) : () -> ()
    %dma_wait3A_53 = arith.constant 198 : i32
    %dma_wait3A_54 = arith.constant 0 : i32
    %dma_wait3A_55 = tpu.memref_slice %arg5[%dma_wait3A_53, %dma_wait3A_54] : memref<200x128xi32, #tpu.memory_space<vmem>> -> memref<1x128xi32, #tpu.memory_space<vmem>>
    %dma_wait3A_56 = tpu.memref_squeeze %dma_wait3A_55 : memref<1x128xi32, #tpu.memory_space<vmem>> -> memref<128xi32, #tpu.memory_space<vmem>>
    %dma_wait3A_57 = arith.constant 0 : i32
    %dma_wait3A_58 = arith.constant 0 : i32
    %dma_wait3A_59 = tpu.memref_slice %arg2[%dma_wait3A_57, %dma_wait3A_58] : memref<100000x128xf32, #tpu.memory_space<hbm>> -> memref<100000x128xf32, #tpu.memory_space<hbm>>
    tpu.wait_indirect_dma semaphore(%arg12 : memref<!tpu.dma_semaphore, #tpu.memory_space<semaphore_mem>>) src(%dma_wait3A_59 : memref<100000x128xf32, #tpu.memory_space<hbm>>) dst(%arg8 : memref<128x128xf32, #tpu.memory_space<vmem>>)
    %add3A_60 = arith.constant 25344 : i32
    %add3A_61 = arith.addi %mul3A_4, %add3A_60 : i32
    "tpu.region"() ({
      %run_scoped3A = tpu.sem_alloc : memref<!tpu.dma_semaphore, #tpu.memory_space<semaphore_mem>>
      %dma_start3A_71 = arith.constant 0 : i32
      %dma_start3A_72 = tpu.memref_slice %arg4[%add3A_61, %dma_start3A_71] : memref<819200x128xf32, #tpu.memory_space<hbm>> -> memref<128x128xf32, #tpu.memory_space<hbm>>
      %dma_start3A_73 = arith.constant 0 : i32
      %dma_start3A_74 = tpu.memref_slice %arg4[%add3A_61, %dma_start3A_73] : memref<819200x128xf32, #tpu.memory_space<hbm>> -> memref<128x128xf32, #tpu.memory_space<hbm>>
      tpu.enqueue_dma source(%arg8 : memref<128x128xf32, #tpu.memory_space<vmem>>) target(%dma_start3A_74 : memref<128x128xf32, #tpu.memory_space<hbm>>) target_semaphore(%run_scoped3A : memref<!tpu.dma_semaphore, #tpu.memory_space<semaphore_mem>>)
      %dma_wait3A_75 = arith.constant 0 : i32
      %dma_wait3A_76 = tpu.memref_slice %arg4[%add3A_61, %dma_wait3A_75] : memref<819200x128xf32, #tpu.memory_space<hbm>> -> memref<128x128xf32, #tpu.memory_space<hbm>>
      %dma_wait3A_77 = arith.constant 0 : i32
      %dma_wait3A_78 = tpu.memref_slice %arg4[%add3A_61, %dma_wait3A_77] : memref<819200x128xf32, #tpu.memory_space<hbm>> -> memref<128x128xf32, #tpu.memory_space<hbm>>
      tpu.wait_dma2 semaphore(%run_scoped3A : memref<!tpu.dma_semaphore, #tpu.memory_space<semaphore_mem>>) src(%arg8 : memref<128x128xf32, #tpu.memory_space<vmem>>) dst(%dma_wait3A_78 : memref<128x128xf32, #tpu.memory_space<hbm>>)
      tpu.yield
    }) : () -> ()
    %dma_wait3A_62 = arith.constant 199 : i32
    %dma_wait3A_63 = arith.constant 0 : i32
    %dma_wait3A_64 = tpu.memref_slice %arg5[%dma_wait3A_62, %dma_wait3A_63] : memref<200x128xi32, #tpu.memory_space<vmem>> -> memref<1x128xi32, #tpu.memory_space<vmem>>
    %dma_wait3A_65 = tpu.memref_squeeze %dma_wait3A_64 : memref<1x128xi32, #tpu.memory_space<vmem>> -> memref<128xi32, #tpu.memory_space<vmem>>
    %dma_wait3A_66 = arith.constant 0 : i32
    %dma_wait3A_67 = arith.constant 0 : i32
    %dma_wait3A_68 = tpu.memref_slice %arg2[%dma_wait3A_66, %dma_wait3A_67] : memref<100000x128xf32, #tpu.memory_space<hbm>> -> memref<100000x128xf32, #tpu.memory_space<hbm>>
    tpu.wait_indirect_dma semaphore(%arg13 : memref<!tpu.dma_semaphore, #tpu.memory_space<semaphore_mem>>) src(%dma_wait3A_68 : memref<100000x128xf32, #tpu.memory_space<hbm>>) dst(%arg9 : memref<128x128xf32, #tpu.memory_space<vmem>>)
    %add3A_69 = arith.constant 25472 : i32
    %add3A_70 = arith.addi %mul3A_4, %add3A_69 : i32
    "tpu.region"() ({
      %run_scoped3A = tpu.sem_alloc : memref<!tpu.dma_semaphore, #tpu.memory_space<semaphore_mem>>
      %dma_start3A_71 = arith.constant 0 : i32
      %dma_start3A_72 = tpu.memref_slice %arg4[%add3A_70, %dma_start3A_71] : memref<819200x128xf32, #tpu.memory_space<hbm>> -> memref<128x128xf32, #tpu.memory_space<hbm>>
      %dma_start3A_73 = arith.constant 0 : i32
      %dma_start3A_74 = tpu.memref_slice %arg4[%add3A_70, %dma_start3A_73] : memref<819200x128xf32, #tpu.memory_space<hbm>> -> memref<128x128xf32, #tpu.memory_space<hbm>>
      tpu.enqueue_dma source(%arg9 : memref<128x128xf32, #tpu.memory_space<vmem>>) target(%dma_start3A_74 : memref<128x128xf32, #tpu.memory_space<hbm>>) target_semaphore(%run_scoped3A : memref<!tpu.dma_semaphore, #tpu.memory_space<semaphore_mem>>)
      %dma_wait3A_75 = arith.constant 0 : i32
      %dma_wait3A_76 = tpu.memref_slice %arg4[%add3A_70, %dma_wait3A_75] : memref<819200x128xf32, #tpu.memory_space<hbm>> -> memref<128x128xf32, #tpu.memory_space<hbm>>
      %dma_wait3A_77 = arith.constant 0 : i32
      %dma_wait3A_78 = tpu.memref_slice %arg4[%add3A_70, %dma_wait3A_77] : memref<819200x128xf32, #tpu.memory_space<hbm>> -> memref<128x128xf32, #tpu.memory_space<hbm>>
      tpu.wait_dma2 semaphore(%run_scoped3A : memref<!tpu.dma_semaphore, #tpu.memory_space<semaphore_mem>>) src(%arg9 : memref<128x128xf32, #tpu.memory_space<vmem>>) dst(%dma_wait3A_78 : memref<128x128xf32, #tpu.memory_space<hbm>>)
      tpu.yield
    }) : () -> ()
    return
  }
}

</mosaic_0001>

<sc_bundles>
// kernel: kernel.3.cloned.1.call-start
scs
__scs_entry_jumppad:
0x0: {  	(pc) =	sbr.rel $0x88, $3  }
0x1: {  	(tag) =	ssettag $0x0;
	lr =	simm.s32 $0x1  }
0x2: {  	[smem:$0x3F9F] =	sst lr;
	_ =	strace $0xD0000000  }
0x3: {  	_ = 	snop  }
0x4: {  	_ = 	snop  }
0x5: {  	_ = 	snop  }
0x6: {  	_ = 	snop  }
0x7: {  	_ = 	snop  }
__scs_overlays_trampoline_lowered:
0x8: {  	[smem:$0x3FAE] =	sst s0  }
0x9: {  	[smem:$0x3FAF] =	sst s1  }
0xa: {  	[smem:$0x3FB0] =	sst s2  }
0xb: {  	[smem:$0x3FB1] =	sst s3  }
0xc: {  	[smem:$0x3FB2] =	sst s4  }
0xd: {  	[smem:$0x3FB3] =	sst s5  }
0xe: {  	[smem:$0x3FB4] =	sst s6  }
0xf: {  	[smem:$0x3FB5] =	sst s7  }
0x10: {  	[smem:$0x3FB6] =	sst s8  }
0x11: {  	[smem:$0x3FB7] =	sst s9;
	s0 =	simm.s32 @!p0 $0x0  }
0x12: {  	s1 =	sld [smem:$0x3F9D];
	s0 =	simm.s32 @p0 $0x1  }
0x13: {  	[smem:$0x3FB8] =	sst s0;
	s0 =	simm.s32 @!p1 $0x0  }
0x14: {  	s2 =	sld [smem:$0x3F9C];
	s0 =	simm.s32 @p1 $0x1  }
0x15: {  	[smem:$0x3FB9] =	sst s0;
	s0 =	simm.s32 @!p2 $0x0  }
0x16: {  	s3 =	sld [smem:$0x3FDB];
	s0 =	simm.s32 @p2 $0x1  }
0x17: {  	s4 =	simm.s32 $0x1BF5;
	[smem:$0x3FBB] =	sst s0  }
0x18: {  	s0 =	sld [smem:$0x3F9E];
	_ =	swait.ge [sflag:s4], $0x0  }
0x19: {  	s7 =	sld [smem:$0x3F9F]  }
0x1a: {  	s8 =	sadd.s32 $0xFFFFE003, lr  }
0x1b: {  	s9 =	sadd.s32 $0xFFFFFEF7, lr;
	s5 =	simm.s32 $0xFFFFFFFF;
	p2 =	slt.u32 s8, $0xFFFFF086  }
0x1c: {  	p1 =	slt.u32 s9, $0xF7A;
	s5 =	simm.s32 @!p2 $0x0  }
0x1d: {  	s5 =	simm.s32 @p1 $0x1;
	p0 =	seq.s32 s7, s2  }
0x1e: {  	s7 =	smul.u32 @!p0 $0xF7A, s2;
	p2 =	seq.s32 @!p0 s5, $0x0  }
0x1f: {  	s9 =	smul.u32 $0xF7A, s1;
	s8 =	simm.s32 @!p0 $0x1BF5;
	p2 =	por !p2, p0  }
0x20: {  	[sflag:s8] =	ssyncset.s32 @!p0 $0xFFFFF086;
	s6 =	sadd.s32 @!p0 s3, s7;
	s7 =	simm.s32 @!p0 $0x108  }
0x21: {  	s3 =	sadd.s32 s3, s9;
	s6 =	sadd.s32 @!p0 $0x88, s6;
	s7 =	simm.s32 @p2 $0x1082  }
0x22: {  	[simem:s7], [sflag:s8] =	dma.local @!p0 [hbm:s6], $0xF7A  }
0x23: {  	s9 =	sor.u32 $0xD0000000, s2;
	s6 =	simm.s32 $0x108;
	_ =	swait.ge @!p0 [sflag:s8], $0x0  }
0x24: {  	s3 =	sadd.s32 $0x88, s3;
	s6 =	simm.s32 @!p1 $0x1082;
	[sflag:s4] =	ssyncset.s32 $0xFFFFF086  }
0x25: {  	[simem:s6], [sflag:s4] =	dma.local [hbm:s3], $0xF7A  }
0x26: {  	[smem:$0x3F9F] =	sst s1;
	(tag) =	ssettag s2;
	_ =	strace s9  }
0x27: {  	s1 =	sld [smem:$0x3FAF]  }
0x28: {  	s2 =	sld [smem:$0x3FB0]  }
0x29: {  	s4 =	sld [smem:$0x3FB2]  }
0x2a: {  	p0 =	seq.s32 s5, $0x0;
	s5 =	sld [smem:$0x3FB3]  }
0x2b: {  	s6 =	sld [smem:$0x3FB4]  }
0x2c: {  	s7 =	sld [smem:$0x3FB5]  }
0x2d: {  	s3 =	simm.s32 $0x108;
	s8 =	sld [smem:$0x3FB6]  }
0x2e: {  	s3 =	simm.s32 @!p0 $0x1082;
	s9 =	sld [smem:$0x3FB7]  }
0x2f: {  	lr =	sadd.s32 s0, s3;
	s0 =	sld [smem:$0x3FAE]  }
0x30: {  	s3 =	sld [smem:$0x3FB1]  }
0x31: {  	[smem:$0x3FBA] =	sst s10  }
0x32: {  	s10 =	sld [smem:$0x3FB8];
	_ =	sdelay $0x3  }
0x33: {  	p0 =	seq.s32 s10, $0x1;
	s10 =	sld [smem:$0x3FBA];
	_ =	sdelay $0x3  }
0x34: {  	[smem:$0x3FBA] =	sst s10  }
0x35: {  	s10 =	sld [smem:$0x3FB9];
	_ =	sdelay $0x3  }
0x36: {  	p1 =	seq.s32 s10, $0x1;
	s10 =	sld [smem:$0x3FBA];
	_ =	sdelay $0x3  }
0x37: {  	[smem:$0x3FBA] =	sst s10  }
0x38: {  	s10 =	sld [smem:$0x3FBB]  }
0x39: {  	_ = 	snop;
	(pc) =	sbr.ind lr, $3  }
0x3a: {  	_ = 	snop  }
0x3b: {  	_ = 	snop  }
0x3c: {  	p2 =	seq.s32 s10, $0x1;
	s10 =	sld [smem:$0x3FBA]  }
0x3d: {  	_ =	shalt  }
0x3e: {  	_ =	shalt  }
0x3f: {  	_ =	shalt  }
0x40: {  	_ =	shalt  }
0x41: {  	_ =	shalt  }
0x42: {  	_ =	shalt  }
0x43: {  	_ =	shalt  }
0x44: {  	_ =	shalt  }
0x45: {  	_ =	shalt  }
0x46: {  	_ =	shalt  }
0x47: {  	_ =	shalt  }
0x48: {  	_ =	shalt  }
0x49: {  	_ =	shalt  }
0x4a: {  	_ =	shalt  }
0x4b: {  	_ =	shalt  }
0x4c: {  	_ =	shalt  }
0x4d: {  	_ =	shalt  }
0x4e: {  	_ =	shalt  }
0x4f: {  	_ =	shalt  }
0x50: {  	_ =	shalt  }
0x51: {  	_ =	shalt  }
0x52: {  	_ =	shalt  }
0x53: {  	_ =	shalt  }
0x54: {  	_ =	shalt  }
0x55: {  	_ =	shalt  }
0x56: {  	_ =	shalt  }
0x57: {  	_ =	shalt  }
0x58: {  	_ =	shalt  }
0x59: {  	_ =	shalt  }
0x5a: {  	_ =	shalt  }
0x5b: {  	_ =	shalt  }
0x5c: {  	_ =	shalt  }
0x5d: {  	_ =	shalt  }
0x5e: {  	_ =	shalt  }
0x5f: {  	_ =	shalt  }
0x60: {  	_ =	shalt  }
0x61: {  	_ =	shalt  }
0x62: {  	_ =	shalt  }
0x63: {  	_ =	shalt  }
0x64: {  	_ =	shalt  }
0x65: {  	_ =	shalt  }
0x66: {  	_ =	shalt  }
0x67: {  	_ =	shalt  }
0x68: {  	_ =	shalt  }
0x69: {  	_ =	shalt  }
0x6a: {  	_ =	shalt  }
0x6b: {  	_ =	shalt  }
0x6c: {  	_ =	shalt  }
0x6d: {  	_ =	shalt  }
0x6e: {  	_ =	shalt  }
0x6f: {  	_ =	shalt  }
0x70: {  	_ =	shalt  }
0x71: {  	_ =	shalt  }
0x72: {  	_ =	shalt  }
0x73: {  	_ =	shalt  }
0x74: {  	_ =	shalt  }
0x75: {  	_ =	shalt  }
0x76: {  	_ =	shalt  }
0x77: {  	_ =	shalt  }
0x78: {  	_ =	shalt  }
0x79: {  	_ =	shalt  }
0x7a: {  	_ =	shalt  }
0x7b: {  	_ =	shalt  }
0x7c: {  	_ =	shalt  }
0x7d: {  	_ =	shalt  }
0x7e: {  	_ =	shalt  }
0x7f: {  	_ =	shalt  }
0x80: {  	_ =	shalt  }
0x81: {  	_ =	shalt  }
0x82: {  	_ =	shalt  }
0x83: {  	_ =	shalt  }
0x84: {  	_ =	shalt  }
0x85: {  	_ =	shalt  }
0x86: {  	_ =	shalt  }
0x87: {  	_ =	shalt  }
.Lfunc_end0:
.L_simem_size_0:
called_computation_lowered:
.L_overlay_start_0:
0x88: {  	s2 =	sld [smem:$0x3FD9]  }
0x89: {  	s3 =	sld [smem:$0x3FFE];
	_ =	sdelay $0x1  }
0x8a: {  	s1 =	srdreg.scid  }
0x8b: {  	s0 =	sand.u32 $0x1, s1  }
0x8c: {  	s17 =	sshll.u32 s0, $0xA;
	s2 =	sadd.s32 s3, s2  }
0x8d: {  	s2 =	sadd.s32 s2, s17  }
0x8e: {  	[smem:$0x3FC6] =	sst s2  }
0x8f: {  	_ = 	snop  }
0x90: {  	s2 =	sld [smem:$0x3FC8]  }
0x91: {  	s18 =	sld [smem:$0x3FD0];
	(tm) =	ssettm $0x1  }
0x92: {  	s4 =	sld [smem:$0x3FFB];
	_ =	sdelay $0x3  }
0x93: {  	_ =	strace s4  }
0x94: {  	s4 =	sld [smem:$0x3FFC];
	_ =	sdelay $0x3  }
0x95: {  	_ =	strace s4  }
0x96: {  	s4 =	sld [smem:$0x3FFD];
	_ =	sdelay $0x3  }
0x97: {  	_ =	strace s4  }
0x98: {  	_ =	strace $0x8FFFFFFF  }
0x99: {  	s19 =	sld [smem:$0x3FDB];
	_ =	sdelay $0x1  }
0x9a: {  	s5 =	simm.s32 $_scs_section_size  }
0x9b: {  	s6 =	simm.s32 $_size__tile_overlayer_lowered;
	s7 =	simm.s32 $_tile_overlayer_lowered  }
0x9c: {  	s22 =	simm.s32 $0x1BFF;
	s21 =	sshll.u32 s7, $0x1;
	s4 =	sadd.s32 s5, s19  }
0x9d: {  	s8 =	simm.s32 $0x0;
	s20 =	sshll.u32 s6, $0x1;
	s6 =	sadd.s32 s21, s4  }
0x9e: {  	[timem:s8], [sflag:s22] =	dma.local [hbm:s6], s20  }
0x9f: {  	_ =	swait.ge [sflag:s22], s20  }
0xa0: {  	s5 =	ssub.s32 $0x0, s20;
	[sflag:s22] =	ssyncset.done $0x0  }
0xa1: {  	[sflag:s22] =	ssyncadd.s32 s5;
	_ =	sdelay $0x1  }
0xa2: {  	s23 =	simm.s32 $0x1B8B  }
0xa3: {  	_ =	swait.ge [sflag:s23], $0x1  }
0xa4: {  	[sflag:s23] =	ssyncset.done $0x0  }
0xa5: {  	s25 =	simm.s32 $0x1B8E;
	s24 =	sld [smem:$0x3FFE];
	[sflag:s23] =	ssyncadd.s32 $0xFFFFFFFF  }
0xa6: {  	s26 =	simm.s32 $execute0_lowered;
	[smem:$0x3FD2] =	sst s25  }
0xa7: {  	s6 =	sshll.u32 s26, $0x1;
	_ =	strace $0x80000046;
	[dreg:$0x1] =	wrdreg $0xFFFFFFFF  }
0xa8: {  	s28 =	simm.s32 $_size_execute0_lowered;
	s4 =	sadd.s32 s4, s6;
	[dreg:$0x0] =	wrdreg $0x0  }
0xa9: {  	s6 =	sshll.u32 s28, $0x1;
	[dreg:$0x2] =	wrdreg s4  }
0xaa: {  	[dreg:$0x3] =	wrdreg s6  }
0xab: {  	[dreg:$0x4] =	wrdreg $0xC0  }
0xac: {  	_ =	task [dreg:s8], $0x5FFFF  }
0xad: {  	[dreg:$0x1] =	wrdreg $0xFFFFFFFF  }
0xae: {  	[dreg:$0x0] =	wrdreg $0x60  }
0xaf: {  	[dreg:$0x2] =	wrdreg s2  }
0xb0: {  	[dreg:$0x3] =	wrdreg s24  }
0xb1: {  	[dreg:$0x4] =	wrdreg s18  }
0xb2: {  	[dreg:$0x5] =	wrdreg $0x9  }
0xb3: {  	_ =	task.clear_ibuf [dreg:s8], $0x6FFFF;
	_ =	strace $0x90000046  }
0xb4: {  	s29 =	simm.s32 $0x9;
	_ =	strace $0x80000048  }
0xb5: {  	_ =	swait.ge [sflag:s29], $0x1  }
0xb6: {  	[sflag:s29] =	ssyncadd.s32 $0xFFFFFFFF  }
0xb7: {  	_ =	strace $0x90000048  }
0xb8: {  	_ =	sfence  }
0xb9: {  	s30 =	sld [smem:$0x0];
	_ =	sdelay $0x2  }
0xba: {  	s31 =	sshll.u32 s1, $0xD;
	s1 =	sshrl.u32 s1, $0x2  }
0xbb: {  	s3 =	sand.u32 $0x4000, s31;
	s1 =	sadd.s32 s1, s30  }
0xbc: {  	s0 =	sor.u32 s3, s0;
	s1 =	sshll.u32 s1, $0x11  }
0xbd: {  	s0 =	sor.u32 s1, s0  }
0xbe: {  	s0 =	sadd.s32 $0x8F2B, s0  }
0xbf: {  	[sflag:s0] =	ssyncadd.remote.s32 $0x1  }
0xc0: {  	_ =	sfence.sel $0xFFFF  }
0xc1: {  	[dreg:$0x0] =	wrdreg $0xFFFFFFFF;
	(pc) =	sbr.abs _section_cstart, $3  }
0xc2: {  	[dreg:$0x1] =	wrdreg $0xFFFFFFFF  }
0xc3: {  	_ =	task.clear_ibuf [dreg:s8], $0x2FFFF;
	_ =	strace $0x9FFFFFFF  }
0xc4: {  	(tm) =	ssettm $0x7FFFFFFF  }
0xc5: {  	_ =	shalt  }
tec
execute0_lowered:
.L_overlay_start_1:
0x0: {  	(tag) =	ssettag $0x1  }
0x1: {  	s1 =	rddreg [dreg:$0x0]  }
0x2: {  	s2 =	srdreg.scid;
	s4 =	rddreg [dreg:$0x1]  }
0x3: {  	s0 =	stileid.u32;
	s10 =	rddreg [dreg:$0x2];
	s3 =	simm.s32 $0x0  }
0x4: {  	s15 =	simm.s32 $0xA400;
	s16 =	simm.s32 $0x100;
	s17 =	simm.s32 $0xE400  }
0x5: {  	s18 =	simm.s32 $0x180;
	s19 =	simm.s32 $0x12400;
	s20 =	simm.s32 $0x1  }
0x6: {  	s21 =	simm.s32 $0x2;
	s22 =	simm.s32 $0x3;
	s12 =	smul.u32 $0x640000, s0  }
0x7: {  	s23 =	simm.s32 $0x4;
	s9 =	sand.u32 $0x1, s2;
	s14 =	smul.u32 $0xC8000, s0  }
0x8: {  	s24 =	simm.s32 $0x0;
	s26 =	sshll.u32 s0, $0x1;
	s13 =	smul.u32 $0x320000, s9  }
0x9: {  	s2 =	rddreg [dreg:$0x3];
	s5 =	sor.u32 s9, s26;
	s29 =	smul.u32 $0x64000, s9  }
0xa: {  	[smem:$0x7FF] =	sst s3;
	s7 =	ssub.s32 $0x2, s9;
	s6 =	smul.u32 $0xC80, s5  }
0xb: {  	_ =	strace $0x80000047;
	s5 =	smul.u32 $0x320000, s5;
	s28 =	sshrl.u32 s7, $0x1  }
0xc: {  	s31 =	sadd.s32 s14, s10;
	s14 =	simm.s32 $0x6400;
	s11 =	ssub.s32 s7, s28  }
0xd: {  	s12 =	sadd.s32 s13, s12;
	s13 =	simm.s32 $0x80;
	s4 =	sadd.s32 s6, s4  }
0xe: {  	s5 =	sshrl.u32 s5, $0x3;
	s9 =	smax.u32 s11, $0x1;
	s30 =	sshrl.u32 s12, $0x3  }
0xf: {  	s11 =	sadd.s32 s29, s31;
	s12 =	simm.s32 $0x5;
	s8 =	sadd.s32 s10, s5  }
0x10: {  	s4 =	sadd.s32 $0x400, s4;
	s10 =	sadd.s32 s30, s10;
	s5 =	sadd.s32 $0x62000, s8  }
0x11: {  	s6 =	sadd.s32 $0x62800, s8;
	s7 =	sadd.s32 $0x63000, s8;
	s8 =	sadd.s32 $0x63800, s8  }
.LBB2_1:
0x12: {  	[tilespmem:s3], [sflag:$0x5] =	stream.linear.gather [hbm4b:s4+s3], $0x6400, $0x38;
	[tilespmem:$0x16400] =	vst v63  }
0x13: {  	_ =	swait.ge [sflag:s12], $0x6400  }
0x14: {  	[sflag:s12] =	ssyncset.done $0x0  }
0x15: {  	[sflag:s12] =	ssyncadd.s32 $0xFFFF9C00  }
0x16: {  	[tilespmem:s14], [sflag:$0x1] =	stream.indirect.gather [hbm4b:s1+s13], $0x80, s3, s13, $0xb8;
	[tilespmem:$0x16400] =	vst v63  }
0x17: {  	_ = 	snop  }
0x18: {  	[tilespmem:s15], [sflag:$0x2] =	stream.indirect.gather [hbm4b:s1+s13], $0x80, s13, s13, $0xb8;
	[tilespmem:$0x16400] =	vst v63  }
0x19: {  	_ = 	snop  }
0x1a: {  	[tilespmem:s17], [sflag:$0x3] =	stream.indirect.gather [hbm4b:s1+s13], $0x80, s16, s13, $0xb8;
	[tilespmem:$0x16400] =	vst v63  }
0x1b: {  	_ = 	snop  }
0x1c: {  	[tilespmem:s19], [sflag:$0x4] =	stream.indirect.gather [hbm4b:s1+s13], $0x80, s18, s13, $0xb8;
	[tilespmem:$0x16400] =	vst v63  }
0x1d: {  	_ =	swait.ge [sflag:s20], $0x4000  }
0x1e: {  	[sflag:s20] =	ssyncset.done $0x0  }
0x1f: {  	s25 =	sadd.s32 $0x0, s10;
	[sflag:s20] =	ssyncadd.s32 $0xFFFFC000  }
0x20: {  	[hbm4b:s25+s3] =	stream.linear.scatter [tilespmem:s14], [sflag:$0x5], $0x4000, $0x38;
	[tilespmem:$0x16400] =	vst v63  }
0x21: {  	_ =	swait.ge [sflag:s12], $0x4000  }
0x22: {  	[sflag:s12] =	ssyncset.done $0x0  }
0x23: {  	s26 =	simm.s32 $0x200;
	[sflag:s12] =	ssyncadd.s32 $0xFFFFC000  }
0x24: {  	[tilespmem:s14], [sflag:$0x1] =	stream.indirect.gather [hbm4b:s1+s13], $0x80, s26, s13, $0xb8;
	[tilespmem:$0x16400] =	vst v63  }
0x25: {  	_ =	swait.ge [sflag:s21], $0x4000  }
0x26: {  	s25 =	sadd.s32 $0x0, s11;
	[sflag:s21] =	ssyncset.done $0x0  }
0x27: {  	s26 =	sadd.s32 $0x800, s25;
	[sflag:s21] =	ssyncadd.s32 $0xFFFFC000  }
0x28: {  	[hbm4b:s26+s3] =	stream.linear.scatter [tilespmem:s15], [sflag:$0x5], $0x4000, $0x38;
	[tilespmem:$0x16400] =	vst v63  }
0x29: {  	_ =	swait.ge [sflag:s12], $0x4000  }
0x2a: {  	[sflag:s12] =	ssyncset.done $0x0  }
0x2b: {  	s29 =	simm.s32 $0x280;
	[sflag:s12] =	ssyncadd.s32 $0xFFFFC000  }
0x2c: {  	[tilespmem:s15], [sflag:$0x2] =	stream.indirect.gather [hbm4b:s1+s13], $0x80, s29, s13, $0xb8;
	[tilespmem:$0x16400] =	vst v63  }
0x2d: {  	_ =	swait.ge [sflag:s22], $0x4000  }
0x2e: {  	[sflag:s22] =	ssyncset.done $0x0  }
0x2f: {  	s30 =	sadd.s32 $0x1000, s25;
	[sflag:s22] =	ssyncadd.s32 $0xFFFFC000  }
0x30: {  	[hbm4b:s30+s3] =	stream.linear.scatter [tilespmem:s17], [sflag:$0x5], $0x4000, $0x38;
	[tilespmem:$0x16400] =	vst v63  }
0x31: {  	_ =	swait.ge [sflag:s12], $0x4000  }
0x32: {  	[sflag:s12] =	ssyncset.done $0x0  }
0x33: {  	s31 =	simm.s32 $0x300;
	[sflag:s12] =	ssyncadd.s32 $0xFFFFC000  }
0x34: {  	[tilespmem:s17], [sflag:$0x3] =	stream.indirect.gather [hbm4b:s1+s13], $0x80, s31, s13, $0xb8;
	[tilespmem:$0x16400] =	vst v63  }
0x35: {  	_ =	swait.ge [sflag:s23], $0x4000  }
0x36: {  	[sflag:s23] =	ssyncset.done $0x0  }
0x37: {  	s25 =	sadd.s32 $0x1800, s25;
	[sflag:s23] =	ssyncadd.s32 $0xFFFFC000  }
0x38: {  	[hbm4b:s25+s3] =	stream.linear.scatter [tilespmem:s19], [sflag:$0x5], $0x4000, $0x38;
	[tilespmem:$0x16400] =	vst v63  }
0x39: {  	_ =	swait.ge [sflag:s12], $0x4000  }
0x3a: {  	s28 =	simm.s32 $0x580;
	[sflag:s12] =	ssyncset.done $0x0  }
0x3b: {  	s26 =	simm.s32 $0x2000;
	s25 =	simm.s32 $0x380;
	[sflag:s12] =	ssyncadd.s32 $0xFFFFC000  }
.LBB2_2:
0x3c: {  	[tilespmem:s19], [sflag:$0x4] =	stream.indirect.gather [hbm4b:s1+s13], $0x80, s25, s13, $0xb8;
	[tilespmem:$0x16400] =	vst v63  }
0x3d: {  	s29 =	smov.u32 s26;
	s25 =	smov.u32 s28  }
0x3e: {  	p0 =	sne.s32 s26, $0x60000;
	s26 =	sadd.s32 $0x2000, s26;
	_ =	swait.ge [sflag:s20], $0x4000  }
0x3f: {  	[sflag:s20] =	ssyncset.done $0x0  }
0x40: {  	s30 =	sadd.s32 s29, s10;
	[sflag:s20] =	ssyncadd.s32 $0xFFFFC000  }
0x41: {  	[hbm4b:s30+s3] =	stream.linear.scatter [tilespmem:s14], [sflag:$0x5], $0x4000, $0x38;
	[tilespmem:$0x16400] =	vst v63  }
0x42: {  	_ =	swait.ge [sflag:s12], $0x4000  }
0x43: {  	[sflag:s12] =	ssyncset.done $0x0  }
0x44: {  	s30 =	sadd.s32 $0xFFFFFE80, s28;
	[sflag:s12] =	ssyncadd.s32 $0xFFFFC000  }
0x45: {  	[tilespmem:s14], [sflag:$0x1] =	stream.indirect.gather [hbm4b:s1+s13], $0x80, s30, s13, $0xb8;
	[tilespmem:$0x16400] =	vst v63  }
0x46: {  	_ =	swait.ge [sflag:s21], $0x4000  }
0x47: {  	s29 =	sadd.s32 s29, s11;
	[sflag:s21] =	ssyncset.done $0x0  }
0x48: {  	s30 =	sadd.s32 $0x800, s29;
	[sflag:s21] =	ssyncadd.s32 $0xFFFFC000  }
0x49: {  	[hbm4b:s30+s3] =	stream.linear.scatter [tilespmem:s15], [sflag:$0x5], $0x4000, $0x38;
	[tilespmem:$0x16400] =	vst v63  }
0x4a: {  	_ =	swait.ge [sflag:s12], $0x4000  }
0x4b: {  	[sflag:s12] =	ssyncset.done $0x0  }
0x4c: {  	s30 =	sadd.s32 $0xFFFFFF00, s28;
	[sflag:s12] =	ssyncadd.s32 $0xFFFFC000  }
0x4d: {  	[tilespmem:s15], [sflag:$0x2] =	stream.indirect.gather [hbm4b:s1+s13], $0x80, s30, s13, $0xb8;
	[tilespmem:$0x16400] =	vst v63  }
0x4e: {  	_ =	swait.ge [sflag:s22], $0x4000  }
0x4f: {  	[sflag:s22] =	ssyncset.done $0x0  }
0x50: {  	s30 =	sadd.s32 $0x1000, s29;
	[sflag:s22] =	ssyncadd.s32 $0xFFFFC000  }
0x51: {  	[hbm4b:s30+s3] =	stream.linear.scatter [tilespmem:s17], [sflag:$0x5], $0x4000, $0x38;
	[tilespmem:$0x16400] =	vst v63  }
0x52: {  	_ =	swait.ge [sflag:s12], $0x4000  }
0x53: {  	[sflag:s12] =	ssyncset.done $0x0  }
0x54: {  	s30 =	sadd.s32 $0xFFFFFF80, s28;
	[sflag:s12] =	ssyncadd.s32 $0xFFFFC000  }
0x55: {  	[tilespmem:s17], [sflag:$0x3] =	stream.indirect.gather [hbm4b:s1+s13], $0x80, s30, s13, $0xb8;
	[tilespmem:$0x16400] =	vst v63  }
0x56: {  	_ =	swait.ge [sflag:s23], $0x4000  }
0x57: {  	[sflag:s23] =	ssyncset.done $0x0  }
.Ltmp0:
0x58: {  	s29 =	sadd.s32 $0x1800, s29;
	[sflag:s23] =	ssyncadd.s32 $0xFFFFC000;
	(pc) =	sbr.rel @p0 .LBB2_2-.Ltmp0, $4  }
0x59: {  	[hbm4b:s29+s3] =	stream.linear.scatter [tilespmem:s19], [sflag:$0x5], $0x4000, $0x38;
	[tilespmem:$0x16400] =	vst v63  }
0x5a: {  	_ =	swait.ge [sflag:s12], $0x4000  }
0x5b: {  	[sflag:s12] =	ssyncset.done $0x0  }
0x5c: {  	s28 =	sadd.s32 $0x200, s28;
	[sflag:s12] =	ssyncadd.s32 $0xFFFFC000  }
0x5d: {  	[tilespmem:s19], [sflag:$0x4] =	stream.indirect.gather [hbm4b:s1+s13], $0x80, s25, s13, $0xb8;
	[tilespmem:$0x16400] =	vst v63  }
0x5e: {  	_ =	swait.ge [sflag:s20], $0x4000  }
0x5f: {  	[sflag:s20] =	ssyncset.done $0x0  }
0x60: {  	[sflag:s20] =	ssyncadd.s32 $0xFFFFC000  }
0x61: {  	[hbm4b:s5+s3] =	stream.linear.scatter [tilespmem:s14], [sflag:$0x5], $0x4000, $0x38;
	[tilespmem:$0x16400] =	vst v63  }
0x62: {  	_ =	swait.ge [sflag:s12], $0x4000  }
0x63: {  	[sflag:s12] =	ssyncset.done $0x0  }
0x64: {  	[sflag:s12] =	ssyncadd.s32 $0xFFFFC000  }
0x65: {  	_ =	swait.ge [sflag:s21], $0x4000  }
0x66: {  	[sflag:s21] =	ssyncset.done $0x0  }
0x67: {  	[sflag:s21] =	ssyncadd.s32 $0xFFFFC000  }
0x68: {  	[hbm4b:s6+s3] =	stream.linear.scatter [tilespmem:s15], [sflag:$0x5], $0x4000, $0x38;
	[tilespmem:$0x16400] =	vst v63  }
0x69: {  	_ =	swait.ge [sflag:s12], $0x4000  }
0x6a: {  	[sflag:s12] =	ssyncset.done $0x0  }
0x6b: {  	[sflag:s12] =	ssyncadd.s32 $0xFFFFC000  }
0x6c: {  	_ =	swait.ge [sflag:s22], $0x4000  }
0x6d: {  	[sflag:s22] =	ssyncset.done $0x0  }
0x6e: {  	[sflag:s22] =	ssyncadd.s32 $0xFFFFC000  }
0x6f: {  	[hbm4b:s7+s3] =	stream.linear.scatter [tilespmem:s17], [sflag:$0x5], $0x4000, $0x38;
	[tilespmem:$0x16400] =	vst v63  }
0x70: {  	_ =	swait.ge [sflag:s12], $0x4000  }
0x71: {  	[sflag:s12] =	ssyncset.done $0x0  }
0x72: {  	[sflag:s12] =	ssyncadd.s32 $0xFFFFC000  }
0x73: {  	s24 =	sadd.s32 $0x1, s24;
	_ =	swait.ge [sflag:s23], $0x4000  }
0x74: {  	p0 =	sne.s32 s24, s9;
	[sflag:s23] =	ssyncset.done $0x0  }
.Ltmp1:
0x75: {  	[sflag:s23] =	ssyncadd.s32 $0xFFFFC000;
	(pc) =	sbr.rel @p0 .LBB2_1-.Ltmp1, $4  }
0x76: {  	[hbm4b:s8+s3] =	stream.linear.scatter [tilespmem:s19], [sflag:$0x5], $0x4000, $0x38;
	[tilespmem:$0x16400] =	vst v63  }
0x77: {  	_ =	swait.ge [sflag:s12], $0x4000  }
0x78: {  	[sflag:s12] =	ssyncset.done $0x0  }
0x79: {  	[sflag:s12] =	ssyncadd.s32 $0xFFFFC000  }
0x7a: {  	_ =	sfence.sel $0x180000  }
0x7b: {  	[bflag:$0x0] =	sbarrier.arrive $0xFFFF  }
0x7c: {  	p0 =	sne.s32 s0, $0x0;
	_ =	strace $0x90000047  }
0x7d: {  	s0 =	sadd.s32 @!p0 $0x100000, s2;
	[bflag:$0x2] =	sbarrier.arrive $0xFFFF  }
0x7e: {  	[sflag:s0] =	ssyncadd.tile.s32 @!p0 $0x1;
	_ =	shalt  }
.Lfunc_end2:
_tile_overlayer_lowered:
.L_overlay_start_2:
0x7f: {  	(tag) =	ssettag $0x2  }
0x80: {  	s0 =	rddreg [dreg:$0x0];
	s2 =	stileid.u32  }
0x81: {  	s1 =	rddreg [dreg:$0x1];
	p0 =	sne.s32 s2, $0x0  }
0x82: {  	s3 =	rddreg [dreg:$0x2];
	[bflag:$0x3] =	sbarrier.arrive $0xFFFF;
	s2 =	simm.s32 @!p0 $0x1C05  }
0x83: {  	[timem:s3], [sflag:s2] =	dma.local @!p0 [hbm:s0], s1  }
0x84: {  	s0 =	simm.s32 @!p0 $0x5  }
0x85: {  	_ =	swait.ge @!p0 [sflag:s0], s1  }
0x86: {  	s1 =	ssub.s32 @!p0 $0x0, s1;
	[sflag:s0] =	ssyncset.done @!p0 $0x0  }
0x87: {  	[sflag:s0] =	ssyncadd.s32 @!p0 s1  }
0x88: {  	[bflag:$0x3] =	sbarrier.arrive $0xFFFF  }
0x89: {  	_ =	shalt  }

</sc_bundles>
